<compile_context>
chip_gen: v7x
topology: tpu7x:2x2x1
jax: 0.10.2.dev20260603
libtpu: 0.0.44.dev20260713+nightly
codegen_flags: <defaults>
</compile_context>

<pallas_src>
import jax
import jax.numpy as jnp
from jax.experimental import pallas as pl
from jax.experimental.pallas import tpu as pltpu

NUM_CLASSES = 21
TOP_K = 200
CONF_THRESH = 0.01
NMS_THRESH = 0.45
VAR0, VAR1 = 0.1, 0.2

N = 20000
BN = 2000
KPAD = 256


def _prep_body(conf_ref, loc_ref, anc_ref, ign_ref, scores_ref, boxes_ref):
    c = conf_ref[...]
    m = jnp.max(c, axis=-1, keepdims=True)
    e = jnp.exp(c - m)
    s = e / jnp.sum(e, axis=-1, keepdims=True)
    flag = (ign_ref[...] < 1)
    valid = flag & (s > CONF_THRESH)
    scores_ref[...] = jnp.where(valid, s, -1.0)

    loc = loc_ref[...]
    anc = anc_ref[...]
    xy = anc[:, :2] + loc[:, :2] * VAR0 * anc[:, 2:]
    wh = anc[:, 2:] * jnp.exp(loc[:, 2:] * VAR1)
    mins = xy - wh * 0.5
    maxs = mins + wh
    boxes_ref[...] = jnp.concatenate([mins, maxs], axis=1)


def _prep(conf2d, loc2d, anc2d, ign2d):
    nrows = conf2d.shape[0]
    grid = (nrows // BN,)
    return pl.pallas_call(
        _prep_body,
        grid=grid,
        in_specs=[
            pl.BlockSpec((BN, NUM_CLASSES), lambda i: (i, 0)),
            pl.BlockSpec((BN, 4), lambda i: (i, 0)),
            pl.BlockSpec((BN, 4), lambda i: (i, 0)),
            pl.BlockSpec((BN, 1), lambda i: (i, 0)),
        ],
        out_specs=[
            pl.BlockSpec((BN, NUM_CLASSES), lambda i: (i, 0)),
            pl.BlockSpec((BN, 4), lambda i: (i, 0)),
        ],
        out_shape=[
            jax.ShapeDtypeStruct((nrows, NUM_CLASSES), jnp.float32),
            jax.ShapeDtypeStruct((nrows, 4), jnp.float32),
        ],
    )(conf2d, loc2d, anc2d, ign2d)


def _nms_body(s_ref, x1_ref, y1_ref, x2_ref, y2_ref,
              os_ref, ox1_ref, oy1_ref, ox2_ref, oy2_ref):
    R = s_ref.shape[0]
    s = s_ref[...]
    x1 = x1_ref[...]
    y1 = y1_ref[...]
    x2 = x2_ref[...]
    y2 = y2_ref[...]
    lane = jax.lax.broadcasted_iota(jnp.int32, (R, KPAD), 1)
    area = (x2 - x1) * (y2 - y1)

    def _col(v, j):
        return jnp.sum(jnp.where(lane == j, v, 0.0), axis=1, keepdims=True)

    def body(i, keep):
        x1i = _col(x1, i)
        y1i = _col(y1, i)
        x2i = _col(x2, i)
        y2i = _col(y2, i)
        ix1 = jnp.maximum(x1i, x1)
        iy1 = jnp.maximum(y1i, y1)
        ix2 = jnp.minimum(x2i, x2)
        iy2 = jnp.minimum(y2i, y2)
        inter = jnp.clip(ix2 - ix1, 0.0) * jnp.clip(iy2 - iy1, 0.0)
        areai = (x2i - x1i) * (y2i - y1i)
        union = jnp.maximum(areai + area - inter, 1e-12)
        over = inter > NMS_THRESH * union
        sup = jnp.max(jnp.where(over, keep, 0.0), axis=1, keepdims=True)
        vi = _col(s, i) > CONF_THRESH
        newk = jnp.where(vi & (sup == 0.0), 1.0, 0.0)
        return jnp.where(lane == i, newk, keep)

    keep = jax.lax.fori_loop(0, TOP_K, body, jnp.zeros((R, KPAD), jnp.float32))

    kf = keep
    r_i = jax.lax.broadcasted_iota(jnp.int32, (KPAD, KPAD), 0)
    c_i = jax.lax.broadcasted_iota(jnp.int32, (KPAD, KPAD), 1)
    tri = jnp.where(r_i < c_i, 1.0, 0.0)
    pos = jax.lax.dot(kf, tri, preferred_element_type=jnp.float32)

    z = jnp.zeros((R, KPAD), jnp.float32)

    def cstep(j, outs):
        o_s, o_x1, o_y1, o_x2, o_y2 = outs
        kj = _col(kf, j) > 0.0
        pj = _col(pos, j)
        m = kj & (pj == lane.astype(jnp.float32))
        o_s = jnp.where(m, _col(s, j), o_s)
        o_x1 = jnp.where(m, _col(x1, j), o_x1)
        o_y1 = jnp.where(m, _col(y1, j), o_y1)
        o_x2 = jnp.where(m, _col(x2, j), o_x2)
        o_y2 = jnp.where(m, _col(y2, j), o_y2)
        return (o_s, o_x1, o_y1, o_x2, o_y2)

    o_s, o_x1, o_y1, o_x2, o_y2 = jax.lax.fori_loop(
        0, TOP_K, cstep, (z, z, z, z, z))
    os_ref[...] = o_s
    ox1_ref[...] = o_x1
    oy1_ref[...] = o_y1
    ox2_ref[...] = o_x2
    oy2_ref[...] = o_y2


def _nms(s, x1, y1, x2, y2):
    R = s.shape[0]
    outs = [jax.ShapeDtypeStruct((R, KPAD), jnp.float32)] * 5
    return pl.pallas_call(
        _nms_body,
        out_shape=outs,
    )(s, x1, y1, x2, y2)


@jax.jit
def _run(odm_loc, odm_conf, anchors, ignore):
    B = odm_loc.shape[0]
    scores2d, boxes2d = _prep(
        odm_conf.reshape(B * N, NUM_CLASSES),
        odm_loc.reshape(B * N, 4),
        anchors.reshape(B * N, 4),
        ignore.reshape(B * N, 1),
    )
    scores = scores2d.reshape(B, N, NUM_CLASSES)
    boxes = boxes2d.reshape(B, N, 4)

    sc_t = jnp.transpose(scores[:, :, 1:], (0, 2, 1)).reshape(B * (NUM_CLASSES - 1), N)
    top_s, top_i = jax.lax.top_k(sc_t, TOP_K)
    R = B * (NUM_CLASSES - 1)
    img = jnp.arange(R) // (NUM_CLASSES - 1)
    cbox = boxes[img[:, None], top_i]

    pad = ((0, 0), (0, KPAD - TOP_K))
    s_p = jnp.pad(top_s, pad, constant_values=-1.0)
    x1 = jnp.pad(cbox[:, :, 0], pad)
    y1 = jnp.pad(cbox[:, :, 1], pad)
    x2 = jnp.pad(cbox[:, :, 2], pad)
    y2 = jnp.pad(cbox[:, :, 3], pad)

    o_s, o_x1, o_y1, o_x2, o_y2 = _nms(s_p, x1, y1, x2, y2)
    dets = jnp.stack(
        [o_s[:, :TOP_K], o_x1[:, :TOP_K], o_y1[:, :TOP_K],
         o_x2[:, :TOP_K], o_y2[:, :TOP_K]], axis=-1)
    dets = dets.reshape(B, NUM_CLASSES - 1, TOP_K, 5)
    zero = jnp.zeros((B, 1, TOP_K, 5), dets.dtype)
    return jnp.concatenate([zero, dets], axis=1)


def kernel(odm_loc_data, odm_conf_data, refined_anchors, ignore_flags_refined_anchor):
    return _run(odm_loc_data, odm_conf_data, refined_anchors, ignore_flags_refined_anchor)

# --- scband reference (transcript-rebuilt; emitter-appended) ---
"""Pipeline reference for scband-detect-74036646248814 (READ-ONLY COPY).

The authoritative reference and input builder live on the scoring server;
editing this copy changes nothing except your own understanding.
"""

import jax, jax.numpy as jnp
import numpy as np

NUM_CLASSES = 21
TOP_K_PER_CLASS = 200
CONF_THRESH = 0.01
NMS_THRESH = 0.45
VAR0, VAR1 = 0.1, 0.2


def decode(loc, priors):
    # SSD-style decode: priors are (cx, cy, w, h)
    xy = priors[:, :2] + loc[:, :2] * VAR0 * priors[:, 2:]
    wh = priors[:, 2:] * jnp.exp(loc[:, 2:] * VAR1)
    mins = xy - wh / 2.0
    maxs = mins + wh
    return jnp.concatenate([mins, maxs], axis=1)


def iou_matrix(b):
    x1, y1, x2, y2 = b[:, 0], b[:, 1], b[:, 2], b[:, 3]
    area = (x2 - x1) * (y2 - y1)
    ix1 = jnp.maximum(x1[:, None], x1[None, :])
    iy1 = jnp.maximum(y1[:, None], y1[None, :])
    ix2 = jnp.minimum(x2[:, None], x2[None, :])
    iy2 = jnp.minimum(y2[:, None], y2[None, :])
    inter = jnp.clip(ix2 - ix1, 0.0) * jnp.clip(iy2 - iy1, 0.0)
    union = area[:, None] + area[None, :] - inter
    return inter / jnp.maximum(union, 1e-12)


def nms_single(boxes, scores, valid):
    # boxes [N,4], scores [N], valid bool [N] -> [K,5] (score, x1, y1, x2, y2)
    K = TOP_K_PER_CLASS
    masked = jnp.where(valid, scores, -jnp.inf)
    top_s, top_i = jax.lax.top_k(masked, K)  # descending score, = torch pre-NMS top_k
    cboxes = boxes[top_i]
    cvalid = top_s > CONF_THRESH  # also kills -inf slots from <K valid candidates
    iou = iou_matrix(cboxes)
    idxs = jnp.arange(K)

    def body(i, keep):
        sup = jnp.any((iou[i] > NMS_THRESH) & keep & (idxs < i))
        return keep.at[i].set(cvalid[i] & jnp.logical_not(sup))

    keep = jax.lax.fori_loop(0, K, body, jnp.zeros((K,), dtype=bool))
    # compact kept detections to the front, preserving descending-score order
    sort_key = (1 - keep.astype(jnp.int32)) * K + idxs
    order = jnp.argsort(sort_key)
    keep_s = keep[order]
    det = jnp.concatenate([top_s[order][:, None], cboxes[order]], axis=1)
    return jnp.where(keep_s[:, None], det, 0.0)


def _forward(odm_loc, odm_conf, anchors, ignore):
    scores = jax.nn.softmax(odm_conf, axis=-1)

    def per_image(loc_i, sc_i, anc_i, ign_i):
        boxes = decode(loc_i, anc_i)
        flag = ign_i < 1  # keep non-ignored anchors

        def per_class(sc_c):
            valid = flag & (sc_c > CONF_THRESH)
            return nms_single(boxes, sc_c, valid)

        dets = jax.vmap(per_class, in_axes=1)(sc_i[:, 1:])  # skip background class 0
        zero = jnp.zeros((1, TOP_K_PER_CLASS, 5), dets.dtype)
        return jnp.concatenate([zero, dets], axis=0)

    out = jax.vmap(per_image)(odm_loc, scores, anchors, ignore)
    # original module sorts flattened scores but discards the result; output unchanged
    return out


forward = jax.jit(_forward)


def setup_inputs(seed: int = 0) -> dict:
    key = jax.random.key(seed)
    k1, k2, k3, k4 = jax.random.split(key, 4)
    odm_loc_data = jax.random.normal(k1, (4, 20000, 4), dtype=jnp.float32)
    odm_conf_data = jax.random.normal(k2, (4, 20000, 21), dtype=jnp.float32)
    refined_anchors = jax.random.uniform(k3, (4, 20000, 4), dtype=jnp.float32)
    ignore_flags_refined_anchor = jax.random.randint(k4, (4, 20000), 0, 2, dtype=jnp.int32)
    return {
        "odm_loc_data": odm_loc_data,
        "odm_conf_data": odm_conf_data,
        "refined_anchors": refined_anchors,
        "ignore_flags_refined_anchor": ignore_flags_refined_anchor,
    }


def reference(odm_loc_data, odm_conf_data, refined_anchors, ignore_flags_refined_anchor):
    return forward(odm_loc_data, odm_conf_data, refined_anchors, ignore_flags_refined_anchor)

if __name__ == "__main__":
    import jax
    _d = setup_inputs()
    print(jax.jit(kernel)(*tuple(_d.values())))

</pallas_src>

<mosaic_0001>
module attributes {stable_mosaic.version = 14 : i64} {
  func.func @_prep_body(%arg0: i32, %arg1: memref<2000x21xf32, #tpu.memory_space<vmem>>, %arg2: memref<2000x4xf32, #tpu.memory_space<vmem>>, %arg3: memref<2000x4xf32, #tpu.memory_space<vmem>>, %arg4: memref<2000x1xi32, #tpu.memory_space<vmem>>, %arg5: memref<2000x21xf32, #tpu.memory_space<vmem>>, %arg6: memref<2000x4xf32, #tpu.memory_space<vmem>>) attributes {dimension_semantics = [#tpu.dimension_semantics<arbitrary>], iteration_bounds = array<i64: 40>, scalar_prefetch = 0 : i64, scratch_operands = 0 : i64, tpu.core_type = #tpu.core_type<tc>, window_params = [{transform_indices = @transform_0, window_bounds = array<i64: 2000, 21>}, {transform_indices = @transform_1, window_bounds = array<i64: 2000, 4>}, {transform_indices = @transform_2, window_bounds = array<i64: 2000, 4>}, {transform_indices = @transform_3, window_bounds = array<i64: 2000, 1>}, {transform_indices = @transform_4, window_bounds = array<i64: 2000, 21>}, {transform_indices = @transform_5, window_bounds = array<i64: 2000, 4>}]} {
    %get3A = arith.constant 0 : index
    %get3A_0 = arith.constant 0 : index
    %get3A_1 = vector.load %arg1[%get3A, %get3A_0] : memref<2000x21xf32, #tpu.memory_space<vmem>>, vector<2000x21xf32>
    %reduce_max3A = arith.constant dense<0xFF800000> : vector<2000xf32>
    %reduce_max3A_2 = vector.multi_reduction <maximumf>, %get3A_1, %reduce_max3A [1] : vector<2000x21xf32> to vector<2000xf32>
    %broadcast_in_dim3A = vector.shape_cast %reduce_max3A_2 : vector<2000xf32> to vector<2000x1xf32>
    %sub3A = vector.broadcast %broadcast_in_dim3A : vector<2000x1xf32> to vector<2000x21xf32>
    %sub3A_3 = arith.subf %get3A_1, %sub3A : vector<2000x21xf32>
    %exp3A = math.exp %sub3A_3 : vector<2000x21xf32>
    %reduce_sum3A = arith.constant dense<0.000000e+00> : vector<2000xf32>
    %reduce_sum3A_4 = vector.multi_reduction <add>, %exp3A, %reduce_sum3A [1] : vector<2000x21xf32> to vector<2000xf32>
    %broadcast_in_dim3A_5 = vector.shape_cast %reduce_sum3A_4 : vector<2000xf32> to vector<2000x1xf32>
    %div3A = vector.broadcast %broadcast_in_dim3A_5 : vector<2000x1xf32> to vector<2000x21xf32>
    %div3A_6 = arith.divf %exp3A, %div3A : vector<2000x21xf32>
    %get3A_7 = arith.constant 0 : index
    %get3A_8 = arith.constant 0 : index
    %get3A_9 = vector.load %arg4[%get3A_7, %get3A_8] : memref<2000x1xi32, #tpu.memory_space<vmem>>, vector<2000x1xi32>
    %lt3A = arith.constant 1 : i32
    %lt3A_10 = vector.broadcast %lt3A : i32 to vector<2000x1xi32>
    %lt3A_11 = arith.cmpi slt, %get3A_9, %lt3A_10 : vector<2000x1xi32>
    %gt3A = arith.constant 0.00999999977 : f32
    %gt3A_12 = vector.broadcast %gt3A : f32 to vector<2000x21xf32>
    %gt3A_13 = arith.cmpf ogt, %div3A_6, %gt3A_12 : vector<2000x21xf32>
    %and3A = vector.broadcast %lt3A_11 : vector<2000x1xi1> to vector<2000x21xi1>
    %and3A_14 = arith.andi %and3A, %gt3A_13 : vector<2000x21xi1>
    %jit3A = arith.constant -1.000000e+00 : f32
    %broadcast_in_dim3A_15 = vector.broadcast %jit3A : f32 to vector<2000x21xf32>
    %select_n3A = arith.select %and3A_14, %div3A_6, %broadcast_in_dim3A_15 : vector<2000x21xi1>, vector<2000x21xf32>
    %swap3A = arith.constant 0 : index
    %swap3A_16 = arith.constant 0 : index
    %swap3A_17 = vector.load %arg5[%swap3A, %swap3A_16] : memref<2000x21xf32, #tpu.memory_space<vmem>>, vector<2000x21xf32>
    tpu.vector_store %arg5[%swap3A, %swap3A_16], %select_n3A {strides = array<i32>} : memref<2000x21xf32, #tpu.memory_space<vmem>>, vector<2000x21xf32>,
    %get3A_18 = arith.constant 0 : index
    %get3A_19 = arith.constant 0 : index
    %get3A_20 = vector.load %arg2[%get3A_18, %get3A_19] : memref<2000x4xf32, #tpu.memory_space<vmem>>, vector<2000x4xf32>
    %get3A_21 = arith.constant 0 : index
    %get3A_22 = arith.constant 0 : index
    %get3A_23 = vector.load %arg3[%get3A_21, %get3A_22] : memref<2000x4xf32, #tpu.memory_space<vmem>>, vector<2000x4xf32>
    %slice3A = vector.extract_strided_slice %get3A_23 {offsets = [0, 0], sizes = [2000, 2], strides = [1, 1]} : vector<2000x4xf32> to vector<2000x2xf32>
    %slice3A_24 = vector.extract_strided_slice %get3A_20 {offsets = [0, 0], sizes = [2000, 2], strides = [1, 1]} : vector<2000x4xf32> to vector<2000x2xf32>
    %mul3A = arith.constant 1.000000e-01 : f32
    %mul3A_25 = vector.broadcast %mul3A : f32 to vector<2000x2xf32>
    %mul3A_26 = arith.mulf %slice3A_24, %mul3A_25 : vector<2000x2xf32>
    %slice3A_27 = vector.extract_strided_slice %get3A_23 {offsets = [0, 2], sizes = [2000, 2], strides = [1, 1]} : vector<2000x4xf32> to vector<2000x2xf32>
    %mul3A_28 = arith.mulf %mul3A_26, %slice3A_27 : vector<2000x2xf32>
    %add3A = arith.addf %slice3A, %mul3A_28 : vector<2000x2xf32>
    %slice3A_29 = vector.extract_strided_slice %get3A_23 {offsets = [0, 2], sizes = [2000, 2], strides = [1, 1]} : vector<2000x4xf32> to vector<2000x2xf32>
    %slice3A_30 = vector.extract_strided_slice %get3A_20 {offsets = [0, 2], sizes = [2000, 2], strides = [1, 1]} : vector<2000x4xf32> to vector<2000x2xf32>
    %mul3A_31 = arith.constant 2.000000e-01 : f32
    %mul3A_32 = vector.broadcast %mul3A_31 : f32 to vector<2000x2xf32>
    %mul3A_33 = arith.mulf %slice3A_30, %mul3A_32 : vector<2000x2xf32>
    %exp3A_34 = math.exp %mul3A_33 : vector<2000x2xf32>
    %mul3A_35 = arith.mulf %slice3A_29, %exp3A_34 : vector<2000x2xf32>
    %mul3A_36 = arith.constant 5.000000e-01 : f32
    %mul3A_37 = vector.broadcast %mul3A_36 : f32 to vector<2000x2xf32>
    %mul3A_38 = arith.mulf %mul3A_35, %mul3A_37 : vector<2000x2xf32>
    %sub3A_39 = arith.subf %add3A, %mul3A_38 : vector<2000x2xf32>
    %add3A_40 = arith.addf %sub3A_39, %mul3A_35 : vector<2000x2xf32>
    %concatenate3A = tpu.concatenate %sub3A_39, %add3A_40 in 1 : vector<2000x2xf32>, vector<2000x2xf32> -> vector<2000x4xf32>
    %swap3A_41 = arith.constant 0 : index
    %swap3A_42 = arith.constant 0 : index
    %swap3A_43 = vector.load %arg6[%swap3A_41, %swap3A_42] : memref<2000x4xf32, #tpu.memory_space<vmem>>, vector<2000x4xf32>
    tpu.vector_store %arg6[%swap3A_41, %swap3A_42], %concatenate3A {strides = array<i32>} : memref<2000x4xf32, #tpu.memory_space<vmem>>, vector<2000x4xf32>,
    return
  }
  func.func @transform_0(%arg0: i32) -> (i32, i32) {
    %c0_i32 = arith.constant 0 : i32
    %c0_i32_0 = arith.constant 0 : i32
    return %arg0, %c0_i32 : i32, i32
  }
  func.func @transform_1(%arg0: i32) -> (i32, i32) {
    %c0_i32 = arith.constant 0 : i32
    %c0_i32_0 = arith.constant 0 : i32
    return %arg0, %c0_i32 : i32, i32
  }
  func.func @transform_2(%arg0: i32) -> (i32, i32) {
    %c0_i32 = arith.constant 0 : i32
    %c0_i32_0 = arith.constant 0 : i32
    return %arg0, %c0_i32 : i32, i32
  }
  func.func @transform_3(%arg0: i32) -> (i32, i32) {
    %c0_i32 = arith.constant 0 : i32
    %c0_i32_0 = arith.constant 0 : i32
    return %arg0, %c0_i32 : i32, i32
  }
  func.func @transform_4(%arg0: i32) -> (i32, i32) {
    %c0_i32 = arith.constant 0 : i32
    %c0_i32_0 = arith.constant 0 : i32
    return %arg0, %c0_i32 : i32, i32
  }
  func.func @transform_5(%arg0: i32) -> (i32, i32) {
    %c0_i32 = arith.constant 0 : i32
    %c0_i32_0 = arith.constant 0 : i32
    return %arg0, %c0_i32 : i32, i32
  }
}

module attributes {stable_mosaic.version = 14 : i64} {
  func.func @_nms_body(%arg0: memref<80x256xf32, #tpu.memory_space<vmem>>, %arg1: memref<80x256xf32, #tpu.memory_space<vmem>>, %arg2: memref<80x256xf32, #tpu.memory_space<vmem>>, %arg3: memref<80x256xf32, #tpu.memory_space<vmem>>, %arg4: memref<80x256xf32, #tpu.memory_space<vmem>>, %arg5: memref<80x256xf32, #tpu.memory_space<vmem>>, %arg6: memref<80x256xf32, #tpu.memory_space<vmem>>, %arg7: memref<80x256xf32, #tpu.memory_space<vmem>>, %arg8: memref<80x256xf32, #tpu.memory_space<vmem>>, %arg9: memref<80x256xf32, #tpu.memory_space<vmem>>) attributes {dimension_semantics = [], scalar_prefetch = 0 : i64, scratch_operands = 0 : i64, tpu.core_type = #tpu.core_type<tc>} {
    %get3A = arith.constant 0 : index
    %get3A_0 = arith.constant 0 : index
    %get3A_1 = vector.load %arg0[%get3A, %get3A_0] : memref<80x256xf32, #tpu.memory_space<vmem>>, vector<80x256xf32>
    %get3A_2 = arith.constant 0 : index
    %get3A_3 = arith.constant 0 : index
    %get3A_4 = vector.load %arg1[%get3A_2, %get3A_3] : memref<80x256xf32, #tpu.memory_space<vmem>>, vector<80x256xf32>
    %get3A_5 = arith.constant 0 : index
    %get3A_6 = arith.constant 0 : index
    %get3A_7 = vector.load %arg2[%get3A_5, %get3A_6] : memref<80x256xf32, #tpu.memory_space<vmem>>, vector<80x256xf32>
    %get3A_8 = arith.constant 0 : index
    %get3A_9 = arith.constant 0 : index
    %get3A_10 = vector.load %arg3[%get3A_8, %get3A_9] : memref<80x256xf32, #tpu.memory_space<vmem>>, vector<80x256xf32>
    %get3A_11 = arith.constant 0 : index
    %get3A_12 = arith.constant 0 : index
    %get3A_13 = vector.load %arg4[%get3A_11, %get3A_12] : memref<80x256xf32, #tpu.memory_space<vmem>>, vector<80x256xf32>
    %iota3A = tpu.iota {dimensions = array<i32: 1>} : vector<80x256xi32>
    %sub3A = arith.subf %get3A_10, %get3A_4 : vector<80x256xf32>
    %sub3A_14 = arith.subf %get3A_13, %get3A_7 : vector<80x256xf32>
    %mul3A = arith.mulf %sub3A, %sub3A_14 : vector<80x256xf32>
    %broadcast_in_dim3A = arith.constant 0.000000e+00 : f32
    %broadcast_in_dim3A_15 = vector.broadcast %broadcast_in_dim3A : f32 to vector<80x256xf32>
    %scan3A = arith.constant 0 : i32
    %scan3A_16 = arith.constant 200 : i32
    %scan3A_17 = arith.addi %scan3A, %scan3A_16 : i32
    %scan3A_18 = arith.constant 1 : i32
    %scan3A_19 = scf.for %scan3A_49 = %scan3A to %scan3A_17 step %scan3A_18 iter_args(%scan3A_50 = %broadcast_in_dim3A_15) -> (vector<80x256xf32>)  : i32 {
      %eq3A = vector.broadcast %scan3A_49 : i32 to vector<80x256xi32>
      %eq3A_51 = arith.cmpi eq, %iota3A, %eq3A : vector<80x256xi32>
      %jit3A_52 = arith.constant 0.000000e+00 : f32
      %broadcast_in_dim3A_53 = vector.broadcast %jit3A_52 : f32 to vector<80x256xf32>
      %select_n3A_54 = arith.select %eq3A_51, %get3A_4, %broadcast_in_dim3A_53 : vector<80x256xi1>, vector<80x256xf32>
      %reduce_sum3A = arith.constant dense<0.000000e+00> : vector<80xf32>
      %reduce_sum3A_55 = vector.multi_reduction <add>, %select_n3A_54, %reduce_sum3A [1] : vector<80x256xf32> to vector<80xf32>
      %broadcast_in_dim3A_56 = vector.shape_cast %reduce_sum3A_55 : vector<80xf32> to vector<80x1xf32>
      %eq3A_57 = vector.broadcast %scan3A_49 : i32 to vector<80x256xi32>
      %eq3A_58 = arith.cmpi eq, %iota3A, %eq3A_57 : vector<80x256xi32>
      %jit3A_59 = arith.constant 0.000000e+00 : f32
      %broadcast_in_dim3A_60 = vector.broadcast %jit3A_59 : f32 to vector<80x256xf32>
      %select_n3A_61 = arith.select %eq3A_58, %get3A_7, %broadcast_in_dim3A_60 : vector<80x256xi1>, vector<80x256xf32>
      %reduce_sum3A_62 = arith.constant dense<0.000000e+00> : vector<80xf32>
      %reduce_sum3A_63 = vector.multi_reduction <add>, %select_n3A_61, %reduce_sum3A_62 [1] : vector<80x256xf32> to vector<80xf32>
      %broadcast_in_dim3A_64 = vector.shape_cast %reduce_sum3A_63 : vector<80xf32> to vector<80x1xf32>
      %eq3A_65 = vector.broadcast %scan3A_49 : i32 to vector<80x256xi32>
      %eq3A_66 = arith.cmpi eq, %iota3A, %eq3A_65 : vector<80x256xi32>
      %jit3A_67 = arith.constant 0.000000e+00 : f32
      %broadcast_in_dim3A_68 = vector.broadcast %jit3A_67 : f32 to vector<80x256xf32>
      %select_n3A_69 = arith.select %eq3A_66, %get3A_10, %broadcast_in_dim3A_68 : vector<80x256xi1>, vector<80x256xf32>
      %reduce_sum3A_70 = arith.constant dense<0.000000e+00> : vector<80xf32>
      %reduce_sum3A_71 = vector.multi_reduction <add>, %select_n3A_69, %reduce_sum3A_70 [1] : vector<80x256xf32> to vector<80xf32>
      %broadcast_in_dim3A_72 = vector.shape_cast %reduce_sum3A_71 : vector<80xf32> to vector<80x1xf32>
      %eq3A_73 = vector.broadcast %scan3A_49 : i32 to vector<80x256xi32>
      %eq3A_74 = arith.cmpi eq, %iota3A, %eq3A_73 : vector<80x256xi32>
      %jit3A_75 = arith.constant 0.000000e+00 : f32
      %broadcast_in_dim3A_76 = vector.broadcast %jit3A_75 : f32 to vector<80x256xf32>
      %select_n3A_77 = arith.select %eq3A_74, %get3A_13, %broadcast_in_dim3A_76 : vector<80x256xi1>, vector<80x256xf32>
      %reduce_sum3A_78 = arith.constant dense<0.000000e+00> : vector<80xf32>
      %reduce_sum3A_79 = vector.multi_reduction <add>, %select_n3A_77, %reduce_sum3A_78 [1] : vector<80x256xf32> to vector<80xf32>
      %broadcast_in_dim3A_80 = vector.shape_cast %reduce_sum3A_79 : vector<80xf32> to vector<80x1xf32>
      %max3A = vector.broadcast %broadcast_in_dim3A_56 : vector<80x1xf32> to vector<80x256xf32>
      %max3A_81 = arith.maximumf %max3A, %get3A_4 : vector<80x256xf32>
      %max3A_82 = vector.broadcast %broadcast_in_dim3A_64 : vector<80x1xf32> to vector<80x256xf32>
      %max3A_83 = arith.maximumf %max3A_82, %get3A_7 : vector<80x256xf32>
      %min3A = vector.broadcast %broadcast_in_dim3A_72 : vector<80x1xf32> to vector<80x256xf32>
      %min3A_84 = arith.minimumf %min3A, %get3A_10 : vector<80x256xf32>
      %min3A_85 = vector.broadcast %broadcast_in_dim3A_80 : vector<80x1xf32> to vector<80x256xf32>
      %min3A_86 = arith.minimumf %min3A_85, %get3A_13 : vector<80x256xf32>
      %sub3A_87 = arith.subf %min3A_84, %max3A_81 : vector<80x256xf32>
      %jit3A_88 = arith.constant 0.000000e+00 : f32
      %max3A_89 = vector.broadcast %jit3A_88 : f32 to vector<80x256xf32>
      %max3A_90 = arith.maximumf %max3A_89, %sub3A_87 : vector<80x256xf32>
      %sub3A_91 = arith.subf %min3A_86, %max3A_83 : vector<80x256xf32>
      %jit3A_92 = arith.constant 0.000000e+00 : f32
      %max3A_93 = vector.broadcast %jit3A_92 : f32 to vector<80x256xf32>
      %max3A_94 = arith.maximumf %max3A_93, %sub3A_91 : vector<80x256xf32>
      %mul3A_95 = arith.mulf %max3A_90, %max3A_94 : vector<80x256xf32>
      %sub3A_96 = arith.subf %broadcast_in_dim3A_72, %broadcast_in_dim3A_56 : vector<80x1xf32>
      %sub3A_97 = arith.subf %broadcast_in_dim3A_80, %broadcast_in_dim3A_64 : vector<80x1xf32>
      %mul3A_98 = arith.mulf %sub3A_96, %sub3A_97 : vector<80x1xf32>
      %add3A = vector.broadcast %mul3A_98 : vector<80x1xf32> to vector<80x256xf32>
      %add3A_99 = arith.addf %add3A, %mul3A : vector<80x256xf32>
      %sub3A_100 = arith.subf %add3A_99, %mul3A_95 : vector<80x256xf32>
      %max3A_101 = arith.constant 9.99999996E-13 : f32
      %max3A_102 = vector.broadcast %max3A_101 : f32 to vector<80x256xf32>
      %max3A_103 = arith.maximumf %sub3A_100, %max3A_102 : vector<80x256xf32>
      %mul3A_104 = arith.constant 4.500000e-01 : f32
      %mul3A_105 = vector.broadcast %mul3A_104 : f32 to vector<80x256xf32>
      %mul3A_106 = arith.mulf %mul3A_105, %max3A_103 : vector<80x256xf32>
      %gt3A = arith.cmpf ogt, %mul3A_95, %mul3A_106 : vector<80x256xf32>
      %jit3A_107 = arith.constant 0.000000e+00 : f32
      %broadcast_in_dim3A_108 = vector.broadcast %jit3A_107 : f32 to vector<80x256xf32>
      %select_n3A_109 = arith.select %gt3A, %scan3A_50, %broadcast_in_dim3A_108 : vector<80x256xi1>, vector<80x256xf32>
      %reduce_max3A = arith.constant dense<0xFF800000> : vector<80xf32>
      %reduce_max3A_110 = vector.multi_reduction <maximumf>, %select_n3A_109, %reduce_max3A [1] : vector<80x256xf32> to vector<80xf32>
      %broadcast_in_dim3A_111 = vector.shape_cast %reduce_max3A_110 : vector<80xf32> to vector<80x1xf32>
      %eq3A_112 = vector.broadcast %scan3A_49 : i32 to vector<80x256xi32>
      %eq3A_113 = arith.cmpi eq, %iota3A, %eq3A_112 : vector<80x256xi32>
      %jit3A_114 = arith.constant 0.000000e+00 : f32
      %broadcast_in_dim3A_115 = vector.broadcast %jit3A_114 : f32 to vector<80x256xf32>
      %select_n3A_116 = arith.select %eq3A_113, %get3A_1, %broadcast_in_dim3A_115 : vector<80x256xi1>, vector<80x256xf32>
      %reduce_sum3A_117 = arith.constant dense<0.000000e+00> : vector<80xf32>
      %reduce_sum3A_118 = vector.multi_reduction <add>, %select_n3A_116, %reduce_sum3A_117 [1] : vector<80x256xf32> to vector<80xf32>
      %broadcast_in_dim3A_119 = vector.shape_cast %reduce_sum3A_118 : vector<80xf32> to vector<80x1xf32>
      %gt3A_120 = arith.constant 0.00999999977 : f32
      %gt3A_121 = vector.broadcast %gt3A_120 : f32 to vector<80x1xf32>
      %gt3A_122 = arith.cmpf ogt, %broadcast_in_dim3A_119, %gt3A_121 : vector<80x1xf32>
      %eq3A_123 = arith.constant 0.000000e+00 : f32
      %eq3A_124 = vector.broadcast %eq3A_123 : f32 to vector<80x1xf32>
      %eq3A_125 = arith.cmpf oeq, %broadcast_in_dim3A_111, %eq3A_124 : vector<80x1xf32>
      %and3A = arith.andi %gt3A_122, %eq3A_125 : vector<80x1xi1>
      %jit3A_126 = arith.constant 1.000000e+00 : f32
      %jit3A_127 = arith.constant 0.000000e+00 : f32
      %broadcast_in_dim3A_128 = vector.broadcast %jit3A_126 : f32 to vector<80x1xf32>
      %broadcast_in_dim3A_129 = vector.broadcast %jit3A_127 : f32 to vector<80x1xf32>
      %select_n3A_130 = arith.select %and3A, %broadcast_in_dim3A_128, %broadcast_in_dim3A_129 : vector<80x1xi1>, vector<80x1xf32>
      %eq3A_131 = vector.broadcast %scan3A_49 : i32 to vector<80x256xi32>
      %eq3A_132 = arith.cmpi eq, %iota3A, %eq3A_131 : vector<80x256xi32>
      %broadcast_in_dim3A_133 = vector.shape_cast %select_n3A_130 : vector<80x1xf32> to vector<80x1xf32>
      %broadcast_in_dim3A_134 = vector.broadcast %broadcast_in_dim3A_133 : vector<80x1xf32> to vector<80x256xf32>
      %select_n3A_135 = arith.select %eq3A_132, %broadcast_in_dim3A_134, %scan3A_50 : vector<80x256xi1>, vector<80x256xf32>
      scf.yield %select_n3A_135 : vector<80x256xf32>
    }
    %scan3A_20 = arith.constant 200 : i32
    %iota3A_21 = tpu.iota {dimensions = array<i32: 0>} : vector<256x256xi32>
    %iota3A_22 = tpu.iota {dimensions = array<i32: 1>} : vector<256x256xi32>
    %lt3A = arith.cmpi slt, %iota3A_21, %iota3A_22 : vector<256x256xi32>
    %jit3A = arith.constant 1.000000e+00 : f32
    %jit3A_23 = arith.constant 0.000000e+00 : f32
    %broadcast_in_dim3A_24 = vector.broadcast %jit3A : f32 to vector<256x256xf32>
    %broadcast_in_dim3A_25 = vector.broadcast %jit3A_23 : f32 to vector<256x256xf32>
    %select_n3A = arith.select %lt3A, %broadcast_in_dim3A_24, %broadcast_in_dim3A_25 : vector<256x256xi1>, vector<256x256xf32>
    %dot_general3A = arith.constant dense<0.000000e+00> : vector<80x256xf32>
    %dot_general3A_26 = tpu.matmul %scan3A_19, %select_n3A, %dot_general3A {dimension_numbers = #tpu.dot_dimension_numbers<[1], [0], [0], [1], [0, 0, 1, 1], [], []>, transpose_lhs_hint = false} : vector<80x256xf32>, vector<256x256xf32>, vector<80x256xf32> -> vector<80x256xf32>
    %broadcast_in_dim3A_27 = arith.constant 0.000000e+00 : f32
    %broadcast_in_dim3A_28 = vector.broadcast %broadcast_in_dim3A_27 : f32 to vector<80x256xf32>
    %scan3A_29 = arith.constant 0 : i32
    %scan3A_30 = arith.constant 200 : i32
    %scan3A_31 = arith.addi %scan3A_29, %scan3A_30 : i32
    %scan3A_32 = arith.constant 1 : i32
    %scan3A_33:5 = scf.for %scan3A_49 = %scan3A_29 to %scan3A_31 step %scan3A_32 iter_args(%scan3A_50 = %broadcast_in_dim3A_28, %scan3A_51 = %broadcast_in_dim3A_28, %scan3A_52 = %broadcast_in_dim3A_28, %scan3A_53 = %broadcast_in_dim3A_28, %scan3A_54 = %broadcast_in_dim3A_28) -> (vector<80x256xf32>, vector<80x256xf32>, vector<80x256xf32>, vector<80x256xf32>, vector<80x256xf32>)  : i32 {
      %eq3A = vector.broadcast %scan3A_49 : i32 to vector<80x256xi32>
      %eq3A_55 = arith.cmpi eq, %iota3A, %eq3A : vector<80x256xi32>
      %jit3A_56 = arith.constant 0.000000e+00 : f32
      %broadcast_in_dim3A_57 = vector.broadcast %jit3A_56 : f32 to vector<80x256xf32>
      %select_n3A_58 = arith.select %eq3A_55, %scan3A_19, %broadcast_in_dim3A_57 : vector<80x256xi1>, vector<80x256xf32>
      %reduce_sum3A = arith.constant dense<0.000000e+00> : vector<80xf32>
      %reduce_sum3A_59 = vector.multi_reduction <add>, %select_n3A_58, %reduce_sum3A [1] : vector<80x256xf32> to vector<80xf32>
      %broadcast_in_dim3A_60 = vector.shape_cast %reduce_sum3A_59 : vector<80xf32> to vector<80x1xf32>
      %gt3A = arith.constant 0.000000e+00 : f32
      %gt3A_61 = vector.broadcast %gt3A : f32 to vector<80x1xf32>
      %gt3A_62 = arith.cmpf ogt, %broadcast_in_dim3A_60, %gt3A_61 : vector<80x1xf32>
      %eq3A_63 = vector.broadcast %scan3A_49 : i32 to vector<80x256xi32>
      %eq3A_64 = arith.cmpi eq, %iota3A, %eq3A_63 : vector<80x256xi32>
      %jit3A_65 = arith.constant 0.000000e+00 : f32
      %broadcast_in_dim3A_66 = vector.broadcast %jit3A_65 : f32 to vector<80x256xf32>
      %select_n3A_67 = arith.select %eq3A_64, %dot_general3A_26, %broadcast_in_dim3A_66 : vector<80x256xi1>, vector<80x256xf32>
      %reduce_sum3A_68 = arith.constant dense<0.000000e+00> : vector<80xf32>
      %reduce_sum3A_69 = vector.multi_reduction <add>, %select_n3A_67, %reduce_sum3A_68 [1] : vector<80x256xf32> to vector<80xf32>
      %broadcast_in_dim3A_70 = vector.shape_cast %reduce_sum3A_69 : vector<80xf32> to vector<80x1xf32>
      %convert_element_type3A = arith.sitofp %iota3A : vector<80x256xi32> to vector<80x256xf32>
      %eq3A_71 = vector.broadcast %broadcast_in_dim3A_70 : vector<80x1xf32> to vector<80x256xf32>
      %eq3A_72 = arith.cmpf oeq, %eq3A_71, %convert_element_type3A : vector<80x256xf32>
      %and3A = vector.broadcast %gt3A_62 : vector<80x1xi1> to vector<80x256xi1>
      %and3A_73 = arith.andi %and3A, %eq3A_72 : vector<80x256xi1>
      %eq3A_74 = vector.broadcast %scan3A_49 : i32 to vector<80x256xi32>
      %eq3A_75 = arith.cmpi eq, %iota3A, %eq3A_74 : vector<80x256xi32>
      %jit3A_76 = arith.constant 0.000000e+00 : f32
      %broadcast_in_dim3A_77 = vector.broadcast %jit3A_76 : f32 to vector<80x256xf32>
      %select_n3A_78 = arith.select %eq3A_75, %get3A_1, %broadcast_in_dim3A_77 : vector<80x256xi1>, vector<80x256xf32>
      %reduce_sum3A_79 = arith.constant dense<0.000000e+00> : vector<80xf32>
      %reduce_sum3A_80 = vector.multi_reduction <add>, %select_n3A_78, %reduce_sum3A_79 [1] : vector<80x256xf32> to vector<80xf32>
      %broadcast_in_dim3A_81 = vector.shape_cast %reduce_sum3A_80 : vector<80xf32> to vector<80x1xf32>
      %broadcast_in_dim3A_82 = vector.shape_cast %broadcast_in_dim3A_81 : vector<80x1xf32> to vector<80x1xf32>
      %broadcast_in_dim3A_83 = vector.broadcast %broadcast_in_dim3A_82 : vector<80x1xf32> to vector<80x256xf32>
      %select_n3A_84 = arith.select %and3A_73, %broadcast_in_dim3A_83, %scan3A_50 : vector<80x256xi1>, vector<80x256xf32>
      %eq3A_85 = vector.broadcast %scan3A_49 : i32 to vector<80x256xi32>
      %eq3A_86 = arith.cmpi eq, %iota3A, %eq3A_85 : vector<80x256xi32>
      %jit3A_87 = arith.constant 0.000000e+00 : f32
      %broadcast_in_dim3A_88 = vector.broadcast %jit3A_87 : f32 to vector<80x256xf32>
      %select_n3A_89 = arith.select %eq3A_86, %get3A_4, %broadcast_in_dim3A_88 : vector<80x256xi1>, vector<80x256xf32>
      %reduce_sum3A_90 = arith.constant dense<0.000000e+00> : vector<80xf32>
      %reduce_sum3A_91 = vector.multi_reduction <add>, %select_n3A_89, %reduce_sum3A_90 [1] : vector<80x256xf32> to vector<80xf32>
      %broadcast_in_dim3A_92 = vector.shape_cast %reduce_sum3A_91 : vector<80xf32> to vector<80x1xf32>
      %broadcast_in_dim3A_93 = vector.shape_cast %broadcast_in_dim3A_92 : vector<80x1xf32> to vector<80x1xf32>
      %broadcast_in_dim3A_94 = vector.broadcast %broadcast_in_dim3A_93 : vector<80x1xf32> to vector<80x256xf32>
      %select_n3A_95 = arith.select %and3A_73, %broadcast_in_dim3A_94, %scan3A_51 : vector<80x256xi1>, vector<80x256xf32>
      %eq3A_96 = vector.broadcast %scan3A_49 : i32 to vector<80x256xi32>
      %eq3A_97 = arith.cmpi eq, %iota3A, %eq3A_96 : vector<80x256xi32>
      %jit3A_98 = arith.constant 0.000000e+00 : f32
      %broadcast_in_dim3A_99 = vector.broadcast %jit3A_98 : f32 to vector<80x256xf32>
      %select_n3A_100 = arith.select %eq3A_97, %get3A_7, %broadcast_in_dim3A_99 : vector<80x256xi1>, vector<80x256xf32>
      %reduce_sum3A_101 = arith.constant dense<0.000000e+00> : vector<80xf32>
      %reduce_sum3A_102 = vector.multi_reduction <add>, %select_n3A_100, %reduce_sum3A_101 [1] : vector<80x256xf32> to vector<80xf32>
      %broadcast_in_dim3A_103 = vector.shape_cast %reduce_sum3A_102 : vector<80xf32> to vector<80x1xf32>
      %broadcast_in_dim3A_104 = vector.shape_cast %broadcast_in_dim3A_103 : vector<80x1xf32> to vector<80x1xf32>
      %broadcast_in_dim3A_105 = vector.broadcast %broadcast_in_dim3A_104 : vector<80x1xf32> to vector<80x256xf32>
      %select_n3A_106 = arith.select %and3A_73, %broadcast_in_dim3A_105, %scan3A_52 : vector<80x256xi1>, vector<80x256xf32>
      %eq3A_107 = vector.broadcast %scan3A_49 : i32 to vector<80x256xi32>
      %eq3A_108 = arith.cmpi eq, %iota3A, %eq3A_107 : vector<80x256xi32>
      %jit3A_109 = arith.constant 0.000000e+00 : f32
      %broadcast_in_dim3A_110 = vector.broadcast %jit3A_109 : f32 to vector<80x256xf32>
      %select_n3A_111 = arith.select %eq3A_108, %get3A_10, %broadcast_in_dim3A_110 : vector<80x256xi1>, vector<80x256xf32>
      %reduce_sum3A_112 = arith.constant dense<0.000000e+00> : vector<80xf32>
      %reduce_sum3A_113 = vector.multi_reduction <add>, %select_n3A_111, %reduce_sum3A_112 [1] : vector<80x256xf32> to vector<80xf32>
      %broadcast_in_dim3A_114 = vector.shape_cast %reduce_sum3A_113 : vector<80xf32> to vector<80x1xf32>
      %broadcast_in_dim3A_115 = vector.shape_cast %broadcast_in_dim3A_114 : vector<80x1xf32> to vector<80x1xf32>
      %broadcast_in_dim3A_116 = vector.broadcast %broadcast_in_dim3A_115 : vector<80x1xf32> to vector<80x256xf32>
      %select_n3A_117 = arith.select %and3A_73, %broadcast_in_dim3A_116, %scan3A_53 : vector<80x256xi1>, vector<80x256xf32>
      %eq3A_118 = vector.broadcast %scan3A_49 : i32 to vector<80x256xi32>
      %eq3A_119 = arith.cmpi eq, %iota3A, %eq3A_118 : vector<80x256xi32>
      %jit3A_120 = arith.constant 0.000000e+00 : f32
      %broadcast_in_dim3A_121 = vector.broadcast %jit3A_120 : f32 to vector<80x256xf32>
      %select_n3A_122 = arith.select %eq3A_119, %get3A_13, %broadcast_in_dim3A_121 : vector<80x256xi1>, vector<80x256xf32>
      %reduce_sum3A_123 = arith.constant dense<0.000000e+00> : vector<80xf32>
      %reduce_sum3A_124 = vector.multi_reduction <add>, %select_n3A_122, %reduce_sum3A_123 [1] : vector<80x256xf32> to vector<80xf32>
      %broadcast_in_dim3A_125 = vector.shape_cast %reduce_sum3A_124 : vector<80xf32> to vector<80x1xf32>
      %broadcast_in_dim3A_126 = vector.shape_cast %broadcast_in_dim3A_125 : vector<80x1xf32> to vector<80x1xf32>
      %broadcast_in_dim3A_127 = vector.broadcast %broadcast_in_dim3A_126 : vector<80x1xf32> to vector<80x256xf32>
      %select_n3A_128 = arith.select %and3A_73, %broadcast_in_dim3A_127, %scan3A_54 : vector<80x256xi1>, vector<80x256xf32>
      scf.yield %select_n3A_84, %select_n3A_95, %select_n3A_106, %select_n3A_117, %select_n3A_128 : vector<80x256xf32>, vector<80x256xf32>, vector<80x256xf32>, vector<80x256xf32>, vector<80x256xf32>
    }
    %scan3A_34 = arith.constant 200 : i32
    %swap3A = arith.constant 0 : index
    %swap3A_35 = arith.constant 0 : index
    %swap3A_36 = vector.load %arg5[%swap3A, %swap3A_35] : memref<80x256xf32, #tpu.memory_space<vmem>>, vector<80x256xf32>
    tpu.vector_store %arg5[%swap3A, %swap3A_35], %scan3A_33#0 {strides = array<i32>} : memref<80x256xf32, #tpu.memory_space<vmem>>, vector<80x256xf32>,
    %swap3A_37 = arith.constant 0 : index
    %swap3A_38 = arith.constant 0 : index
    %swap3A_39 = vector.load %arg6[%swap3A_37, %swap3A_38] : memref<80x256xf32, #tpu.memory_space<vmem>>, vector<80x256xf32>
    tpu.vector_store %arg6[%swap3A_37, %swap3A_38], %scan3A_33#1 {strides = array<i32>} : memref<80x256xf32, #tpu.memory_space<vmem>>, vector<80x256xf32>,
    %swap3A_40 = arith.constant 0 : index
    %swap3A_41 = arith.constant 0 : index
    %swap3A_42 = vector.load %arg7[%swap3A_40, %swap3A_41] : memref<80x256xf32, #tpu.memory_space<vmem>>, vector<80x256xf32>
    tpu.vector_store %arg7[%swap3A_40, %swap3A_41], %scan3A_33#2 {strides = array<i32>} : memref<80x256xf32, #tpu.memory_space<vmem>>, vector<80x256xf32>,
    %swap3A_43 = arith.constant 0 : index
    %swap3A_44 = arith.constant 0 : index
    %swap3A_45 = vector.load %arg8[%swap3A_43, %swap3A_44] : memref<80x256xf32, #tpu.memory_space<vmem>>, vector<80x256xf32>
    tpu.vector_store %arg8[%swap3A_43, %swap3A_44], %scan3A_33#3 {strides = array<i32>} : memref<80x256xf32, #tpu.memory_space<vmem>>, vector<80x256xf32>,
    %swap3A_46 = arith.constant 0 : index
    %swap3A_47 = arith.constant 0 : index
    %swap3A_48 = vector.load %arg9[%swap3A_46, %swap3A_47] : memref<80x256xf32, #tpu.memory_space<vmem>>, vector<80x256xf32>
    tpu.vector_store %arg9[%swap3A_46, %swap3A_47], %scan3A_33#4 {strides = array<i32>} : memref<80x256xf32, #tpu.memory_space<vmem>>, vector<80x256xf32>,
    return
  }
}

</mosaic_0001>

<sc_bundles>
// kernel: gather_offload_async_start
scs
__scs_entry_jumppad:
0x0: {  	(pc) =	sbr.rel $0x88, $3  }
0x1: {  	(tag) =	ssettag $0x0;
	lr =	simm.s32 $0x1  }
0x2: {  	[smem:$0x3F9D] =	sst lr;
	_ =	strace $0xD0000000  }
0x3: {  	_ = 	snop  }
0x4: {  	_ = 	snop  }
0x5: {  	_ = 	snop  }
0x6: {  	_ = 	snop  }
0x7: {  	_ = 	snop  }
__scs_overlays_trampoline_lowered:
0x8: {  	[smem:$0x3FAC] =	sst s0  }
0x9: {  	[smem:$0x3FAD] =	sst s1  }
0xa: {  	[smem:$0x3FAE] =	sst s2  }
0xb: {  	[smem:$0x3FAF] =	sst s3  }
0xc: {  	[smem:$0x3FB0] =	sst s4  }
0xd: {  	[smem:$0x3FB1] =	sst s5  }
0xe: {  	[smem:$0x3FB2] =	sst s6  }
0xf: {  	[smem:$0x3FB3] =	sst s7  }
0x10: {  	[smem:$0x3FB4] =	sst s8  }
0x11: {  	[smem:$0x3FB5] =	sst s9;
	s0 =	simm.s32 @!p0 $0x0  }
0x12: {  	s1 =	sld [smem:$0x3F9B];
	s0 =	simm.s32 @p0 $0x1  }
0x13: {  	[smem:$0x3FB6] =	sst s0;
	s0 =	simm.s32 @!p1 $0x0  }
0x14: {  	s2 =	sld [smem:$0x3F9A];
	s0 =	simm.s32 @p1 $0x1  }
0x15: {  	[smem:$0x3FB7] =	sst s0;
	s0 =	simm.s32 @!p2 $0x0  }
0x16: {  	s3 =	sld [smem:$0x3FDB];
	s0 =	simm.s32 @p2 $0x1  }
0x17: {  	s4 =	simm.s32 $0x1BF5;
	[smem:$0x3FB9] =	sst s0  }
0x18: {  	s0 =	sld [smem:$0x3F9C];
	_ =	swait.ge [sflag:s4], $0x0  }
0x19: {  	s7 =	sld [smem:$0x3F9D]  }
0x1a: {  	s8 =	sadd.s32 $0xFFFFE003, lr  }
0x1b: {  	s9 =	sadd.s32 $0xFFFFFEF7, lr;
	s5 =	simm.s32 $0xFFFFFFFF;
	p2 =	slt.u32 s8, $0xFFFFF086  }
0x1c: {  	p1 =	slt.u32 s9, $0xF7A;
	s5 =	simm.s32 @!p2 $0x0  }
0x1d: {  	s5 =	simm.s32 @p1 $0x1;
	p0 =	seq.s32 s7, s2  }
0x1e: {  	s7 =	smul.u32 @!p0 $0xF7A, s2;
	p2 =	seq.s32 @!p0 s5, $0x0  }
0x1f: {  	s9 =	smul.u32 $0xF7A, s1;
	s8 =	simm.s32 @!p0 $0x1BF5;
	p2 =	por !p2, p0  }
0x20: {  	[sflag:s8] =	ssyncset.s32 @!p0 $0xFFFFF086;
	s6 =	sadd.s32 @!p0 s3, s7;
	s7 =	simm.s32 @!p0 $0x108  }
0x21: {  	s3 =	sadd.s32 s3, s9;
	s6 =	sadd.s32 @!p0 $0x88, s6;
	s7 =	simm.s32 @p2 $0x1082  }
0x22: {  	[simem:s7], [sflag:s8] =	dma.local @!p0 [hbm:s6], $0xF7A  }
0x23: {  	s9 =	sor.u32 $0xD0000000, s2;
	s6 =	simm.s32 $0x108;
	_ =	swait.ge @!p0 [sflag:s8], $0x0  }
0x24: {  	s3 =	sadd.s32 $0x88, s3;
	s6 =	simm.s32 @!p1 $0x1082;
	[sflag:s4] =	ssyncset.s32 $0xFFFFF086  }
0x25: {  	[simem:s6], [sflag:s4] =	dma.local [hbm:s3], $0xF7A  }
0x26: {  	[smem:$0x3F9D] =	sst s1;
	(tag) =	ssettag s2;
	_ =	strace s9  }
0x27: {  	s1 =	sld [smem:$0x3FAD]  }
0x28: {  	s2 =	sld [smem:$0x3FAE]  }
0x29: {  	s4 =	sld [smem:$0x3FB0]  }
0x2a: {  	p0 =	seq.s32 s5, $0x0;
	s5 =	sld [smem:$0x3FB1]  }
0x2b: {  	s6 =	sld [smem:$0x3FB2]  }
0x2c: {  	s7 =	sld [smem:$0x3FB3]  }
0x2d: {  	s3 =	simm.s32 $0x108;
	s8 =	sld [smem:$0x3FB4]  }
0x2e: {  	s3 =	simm.s32 @!p0 $0x1082;
	s9 =	sld [smem:$0x3FB5]  }
0x2f: {  	lr =	sadd.s32 s0, s3;
	s0 =	sld [smem:$0x3FAC]  }
0x30: {  	s3 =	sld [smem:$0x3FAF]  }
0x31: {  	[smem:$0x3FB8] =	sst s10  }
0x32: {  	s10 =	sld [smem:$0x3FB6];
	_ =	sdelay $0x3  }
0x33: {  	p0 =	seq.s32 s10, $0x1;
	s10 =	sld [smem:$0x3FB8];
	_ =	sdelay $0x3  }
0x34: {  	[smem:$0x3FB8] =	sst s10  }
0x35: {  	s10 =	sld [smem:$0x3FB7];
	_ =	sdelay $0x3  }
0x36: {  	p1 =	seq.s32 s10, $0x1;
	s10 =	sld [smem:$0x3FB8];
	_ =	sdelay $0x3  }
0x37: {  	[smem:$0x3FB8] =	sst s10  }
0x38: {  	s10 =	sld [smem:$0x3FB9]  }
0x39: {  	_ = 	snop;
	(pc) =	sbr.ind lr, $3  }
0x3a: {  	_ = 	snop  }
0x3b: {  	_ = 	snop  }
0x3c: {  	p2 =	seq.s32 s10, $0x1;
	s10 =	sld [smem:$0x3FB8]  }
0x3d: {  	_ =	shalt  }
0x3e: {  	_ =	shalt  }
0x3f: {  	_ =	shalt  }
0x40: {  	_ =	shalt  }
0x41: {  	_ =	shalt  }
0x42: {  	_ =	shalt  }
0x43: {  	_ =	shalt  }
0x44: {  	_ =	shalt  }
0x45: {  	_ =	shalt  }
0x46: {  	_ =	shalt  }
0x47: {  	_ =	shalt  }
0x48: {  	_ =	shalt  }
0x49: {  	_ =	shalt  }
0x4a: {  	_ =	shalt  }
0x4b: {  	_ =	shalt  }
0x4c: {  	_ =	shalt  }
0x4d: {  	_ =	shalt  }
0x4e: {  	_ =	shalt  }
0x4f: {  	_ =	shalt  }
0x50: {  	_ =	shalt  }
0x51: {  	_ =	shalt  }
0x52: {  	_ =	shalt  }
0x53: {  	_ =	shalt  }
0x54: {  	_ =	shalt  }
0x55: {  	_ =	shalt  }
0x56: {  	_ =	shalt  }
0x57: {  	_ =	shalt  }
0x58: {  	_ =	shalt  }
0x59: {  	_ =	shalt  }
0x5a: {  	_ =	shalt  }
0x5b: {  	_ =	shalt  }
0x5c: {  	_ =	shalt  }
0x5d: {  	_ =	shalt  }
0x5e: {  	_ =	shalt  }
0x5f: {  	_ =	shalt  }
0x60: {  	_ =	shalt  }
0x61: {  	_ =	shalt  }
0x62: {  	_ =	shalt  }
0x63: {  	_ =	shalt  }
0x64: {  	_ =	shalt  }
0x65: {  	_ =	shalt  }
0x66: {  	_ =	shalt  }
0x67: {  	_ =	shalt  }
0x68: {  	_ =	shalt  }
0x69: {  	_ =	shalt  }
0x6a: {  	_ =	shalt  }
0x6b: {  	_ =	shalt  }
0x6c: {  	_ =	shalt  }
0x6d: {  	_ =	shalt  }
0x6e: {  	_ =	shalt  }
0x6f: {  	_ =	shalt  }
0x70: {  	_ =	shalt  }
0x71: {  	_ =	shalt  }
0x72: {  	_ =	shalt  }
0x73: {  	_ =	shalt  }
0x74: {  	_ =	shalt  }
0x75: {  	_ =	shalt  }
0x76: {  	_ =	shalt  }
0x77: {  	_ =	shalt  }
0x78: {  	_ =	shalt  }
0x79: {  	_ =	shalt  }
0x7a: {  	_ =	shalt  }
0x7b: {  	_ =	shalt  }
0x7c: {  	_ =	shalt  }
0x7d: {  	_ =	shalt  }
0x7e: {  	_ =	shalt  }
0x7f: {  	_ =	shalt  }
0x80: {  	_ =	shalt  }
0x81: {  	_ =	shalt  }
0x82: {  	_ =	shalt  }
0x83: {  	_ =	shalt  }
0x84: {  	_ =	shalt  }
0x85: {  	_ =	shalt  }
0x86: {  	_ =	shalt  }
0x87: {  	_ =	shalt  }
.Lfunc_end0:
.L_simem_size_0:
called_computation_lowered:
.L_overlay_start_0:
0x88: {  	s2 =	sld [smem:$0x3FD9]  }
0x89: {  	s3 =	sld [smem:$0x3FFE];
	_ =	sdelay $0x1  }
0x8a: {  	s1 =	srdreg.scid  }
0x8b: {  	s0 =	sand.u32 $0x1, s1  }
0x8c: {  	s17 =	sshll.u32 s0, $0xA;
	s2 =	sadd.s32 s3, s2  }
0x8d: {  	s2 =	sadd.s32 s2, s17  }
0x8e: {  	[smem:$0x3FC4] =	sst s2  }
0x8f: {  	_ = 	snop  }
0x90: {  	s2 =	sld [smem:$0x3FD0];
	(tm) =	ssettm $0x1  }
0x91: {  	s18 =	sld [smem:$0x3FFB];
	_ =	sdelay $0x3  }
0x92: {  	_ =	strace s18  }
0x93: {  	s3 =	sld [smem:$0x3FFC];
	_ =	sdelay $0x3  }
0x94: {  	_ =	strace s3  }
0x95: {  	s3 =	sld [smem:$0x3FFD];
	_ =	sdelay $0x3  }
0x96: {  	_ =	strace s3  }
0x97: {  	_ =	strace $0x8FFFFFFF  }
0x98: {  	s19 =	sld [smem:$0x3FDB];
	_ =	sdelay $0x1  }
0x99: {  	s4 =	simm.s32 $_scs_section_size  }
0x9a: {  	s5 =	simm.s32 $_size__tile_overlayer_lowered;
	s6 =	simm.s32 $_tile_overlayer_lowered  }
0x9b: {  	s22 =	simm.s32 $0x1BFF;
	s21 =	sshll.u32 s6, $0x1;
	s3 =	sadd.s32 s4, s19  }
0x9c: {  	s7 =	simm.s32 $0x0;
	s20 =	sshll.u32 s5, $0x1;
	s5 =	sadd.s32 s21, s3  }
0x9d: {  	[timem:s7], [sflag:s22] =	dma.local [hbm:s5], s20  }
0x9e: {  	_ =	swait.ge [sflag:s22], s20  }
0x9f: {  	s4 =	ssub.s32 $0x0, s20;
	[sflag:s22] =	ssyncset.done $0x0  }
0xa0: {  	[sflag:s22] =	ssyncadd.s32 s4;
	_ =	sdelay $0x1  }
0xa1: {  	s23 =	simm.s32 $0x1B8B  }
0xa2: {  	_ =	swait.ge [sflag:s23], $0x1  }
0xa3: {  	[sflag:s23] =	ssyncset.done $0x0  }
0xa4: {  	s25 =	simm.s32 $0x1B8E;
	s24 =	sld [smem:$0x3FFE];
	[sflag:s23] =	ssyncadd.s32 $0xFFFFFFFF  }
0xa5: {  	s26 =	simm.s32 $execute0_lowered;
	[smem:$0x3FD2] =	sst s25  }
0xa6: {  	s5 =	sshll.u32 s26, $0x1;
	_ =	strace $0x80000046;
	[dreg:$0x1] =	wrdreg $0xFFFFFFFF  }
0xa7: {  	s28 =	simm.s32 $_size_execute0_lowered;
	s3 =	sadd.s32 s3, s5;
	[dreg:$0x0] =	wrdreg $0x0  }
0xa8: {  	s5 =	sshll.u32 s28, $0x1;
	[dreg:$0x2] =	wrdreg s3  }
0xa9: {  	[dreg:$0x3] =	wrdreg s5  }
0xaa: {  	[dreg:$0x4] =	wrdreg $0xC0  }
0xab: {  	_ =	task [dreg:s7], $0x5FFFF  }
0xac: {  	[dreg:$0x1] =	wrdreg $0xFFFFFFFF  }
0xad: {  	[dreg:$0x0] =	wrdreg $0x60  }
0xae: {  	[dreg:$0x2] =	wrdreg s24  }
0xaf: {  	[dreg:$0x3] =	wrdreg s2  }
0xb0: {  	[dreg:$0x4] =	wrdreg $0x9  }
0xb1: {  	_ =	task.clear_ibuf [dreg:s7], $0x5FFFF;
	_ =	strace $0x90000046  }
0xb2: {  	s29 =	simm.s32 $0x9;
	_ =	strace $0x80000048  }
0xb3: {  	_ =	swait.ge [sflag:s29], $0x1  }
0xb4: {  	[sflag:s29] =	ssyncadd.s32 $0xFFFFFFFF  }
0xb5: {  	_ =	strace $0x90000048  }
0xb6: {  	_ =	sfence  }
0xb7: {  	s30 =	sld [smem:$0x0];
	_ =	sdelay $0x2  }
0xb8: {  	s31 =	sshll.u32 s1, $0xD;
	s1 =	sshrl.u32 s1, $0x2  }
0xb9: {  	s3 =	sand.u32 $0x4000, s31;
	s1 =	sadd.s32 s1, s30  }
0xba: {  	s0 =	sor.u32 s3, s0;
	s1 =	sshll.u32 s1, $0x11  }
0xbb: {  	s0 =	sor.u32 s1, s0  }
0xbc: {  	s0 =	sadd.s32 $0x8F2B, s0  }
0xbd: {  	[sflag:s0] =	ssyncadd.remote.s32 $0x1  }
0xbe: {  	_ =	sfence.sel $0xFFFF  }
0xbf: {  	[dreg:$0x0] =	wrdreg $0xFFFFFFFF;
	(pc) =	sbr.abs _section_cstart, $3  }
0xc0: {  	[dreg:$0x1] =	wrdreg $0xFFFFFFFF  }
0xc1: {  	_ =	task.clear_ibuf [dreg:s7], $0x2FFFF;
	_ =	strace $0x9FFFFFFF  }
0xc2: {  	(tm) =	ssettm $0x7FFFFFFF  }
0xc3: {  	_ =	shalt  }
tec
execute0_lowered:
.L_overlay_start_1:
0x0: {  	(tag) =	ssettag $0x1  }
0x1: {  	s0 =	srdreg.scid  }
0x2: {  	s1 =	sshll.u32 s0, $0x4  }
0x3: {  	s0 =	stileid.u32;
	s1 =	sand.u32 $0x10, s1  }
0x4: {  	s2 =	sor.u32 s0, s1  }
0x5: {  	s1 =	smin.u32 s2, $0x12  }
0x6: {  	s1 =	sadd.s32 s2, s1  }
0x7: {  	p0 =	slt.u32 s2, $0x12;
	s2 =	simm.s32 $0x280;
	s1 =	smul.u32 $0x140, s1  }
0x8: {  	s2 =	simm.s32 @!p0 $0x140  }
0x9: {  	s2 =	sadd.s32 s2, s1  }
0xa: {  	s3 =	smin.u32 s2, $0x3E80  }
0xb: {  	s7 =	ssub.s32 s3, s1  }
0xc: {  	p0 =	sgt.s32 s7, $0x0  }
0xd: {  	s7 =	simm.s32 @!p0 $0x0  }
0xe: {  	s4 =	rddreg [dreg:$0x0];
	s31 =	smul.u32 $0xCCCD, s7  }
0xf: {  	s5 =	rddreg [dreg:$0x1]  }
0x10: {  	s6 =	simm.s32 $0x1;
	s10 =	simm.s32 $0x3;
	s8 =	sshrl.u32 s31, $0x18  }
0x11: {  	s13 =	simm.s32 $0x0;
	s12 =	simm.s32 $0x0;
	s9 =	smul.u32 $0x140, s8  }
.Ltmp0:
0x12: {  	s11 =	smov.u32 s1;
	s2 =	rddreg [dreg:$0x2];
	(pc) =	sbr.rel .LBB2_1-.Ltmp0, $4  }
0x13: {  	_ =	strace $0x80000047;
	p0 =	sne.s32 s7, s9;
	s9 =	simm.s32 $0x1  }
0x14: {  	[sflag:s6] =	ssyncpa.u1 $0x0;
	s7 =	simm.s32 $0x2;
	s9 =	simm.s32 @!p0 $0x0  }
0x15: {  	[sflag:s7] =	ssyncpa.u1 $0x0;
	p0 =	por $0x0, $0x0;
	s8 =	sadd.s32 s8, s9  }
0x16: {  	vm0 =	vmmov $0xff;
	vm1 =	vcmask $0x3F20;
	s9 =	sadd.s32 $0x61A800, s4;
	[sflag:s10] =	ssyncpa.u1 $0x0;
	s10 =	sadd.s32 $0x1, s8  }
.LBB2_6:
0x17: {  	[hbm:s17] =	stream.linear.scatter [tilespmem:s14], [sflag:$0x3], $0x400, $0x38;
	[tilespmem:$0x14280] =	vst v63  }
.LBB2_7:
0x18: {  	s13 =	sadd.s32 $0x140, s11  }
0x19: {  	s15 =	smov.u32 s1;
	p2 =	slt.s32 s13, s3  }
0x1a: {  	s15 =	smov.u32 @p2 s13;
	p2 =	sne.s32 s12, s10  }
.Ltmp1:
0x1b: {  	p1 =	slt.u32 s12, $0x2;
	(pc) =	sbr.rel @!p2 .LBB2_8-.Ltmp1, $4  }
0x1c: {  	s14 =	simm.s32 @!p1 $0x3  }
0x1d: {  	s16 =	sadd.s32 $0x1, s12;
	_ =	swait.ge @!p1 [sflag:s14], $0xA000  }
0x1e: {  	p0 =	por !p0, !p0;
	s13 =	smov.u32 s11;
	[sflag:s14] =	ssyncset.done @!p1 $0x0  }
0x1f: {  	s12 =	smov.u32 s16;
	s11 =	smov.u32 s15;
	[sflag:s14] =	ssyncadd.s32 @!p1 $0xFFFF6000  }
.LBB2_1:
0x20: {  	p1 =	sge.u32 s12, s8  }
0x21: {  	s14 =	sxor.u32 @!p1 $0xFFFFFFFF, s12  }
0x22: {  	s14 =	sand.u32 @!p1 $0x1, s14  }
0x23: {  	s14 =	smul.u32 @!p1 $0x500, s14  }
0x24: {  	s31 =	sadd.s32 $0xFFFFFFFF, s12;
	s15 =	sshrl.u32 @!p1 s11, $0x3  }
0x25: {  	s16 =	sand.u32 @!p1 $0x7, s11;
	s15 =	sadd.s32 @!p1 s5, s15;
	s14 =	sshrl.u32 @!p1 s14, $0x2  }
0x26: {  	[tilespmem:s14], [sflag:$0x2] =	stream.linear.gather @!p1 [hbm4b:s15+s16], $0x140, $0x38;
	[tilespmem:$0x14280] =	vst v63  }
0x27: {  	p1 =	sge.u32 s31, s8  }
.Ltmp2:
0x28: {  	_ = 	snop;
	(pc) =	sbr.rel @p1 .LBB2_7-.Ltmp2, $1  }
0x29: {  	_ =	sdelay $0x3  }
0x2a: {  	s14 =	simm.s32 $0x1  }
0x2b: {  	s14 =	simm.s32 @!p0 $0x0  }
0x2c: {  	s15 =	smul.u32 $0x500, s14  }
0x2d: {  	_ =	swait.ge [sflag:s7], $0x140  }
0x2e: {  	[sflag:s7] =	ssyncset.done $0x0;
	s16 =	sshrl.u32 s15, $0x2  }
0x2f: {  	[sflag:s7] =	ssyncadd.s32 $0xFFFFFEC0;
	s15 =	sadd.s32 $0x0, s16  }
0x30: {  	v0 =	vld.msk [tilespmem:s15+$0x0 ss:$0x1], $0xffff;
	_ =	sdelay $0x4  }
0x31: {  	v1 =	vand.u32 $0x3, v0;
	v2 =	vshll.u32 v0, $0x5  }
0x32: {  	vm2 =	veq.s32 v0, $0x80000000;
	v0 =	vmul.u32 $0x271000, v1;
	v1 =	vand.u32 $0x3FFF80, v2  }
0x33: {  	v1 =	vsel vm2, $0xFFFFFF80, v1  }
0x34: {  	v0 =	vsel vm2, $0xFFD8F000, v0;
	v2 =	vand.u32 $0xFFFFFC00, v1  }
0x35: {  	v1 =	vand.u32 $0x380, v1;
	v0 =	vadd.s32 v0, v2  }
0x36: {  	v0 =	vor.u32 v1, v0  }
0x37: {  	v0 =	vshrl.u32 v0, $0x3  }
0x38: {  	s14 =	smul.u32 $0x28000, s14;
	_ =	sdelay $0x1  }
0x39: {  	s14 =	sshrl.u32 s14, $0x2  }
0x3a: {  	s14 =	sor.u32 $0x280, s14  }
0x3b: {  	[tilespmem:s14], [sflag:$0x1] =	stream.indirect_vreg.gather [hbm:s9], $0x80, v0, vm0, $0x38;
	[tilespmem:$0x14280] =	vst v63  }
0x3c: {  	s17 =	sadd.s32 $0x10, s16;
	s15 =	sadd.s32 $0x400, s14  }
0x3d: {  	[tilespmem:s15], [sflag:$0x1] =	stream.indirect_vreg.gather [hbm:s9], $0x80, v0, vm1, $0x38;
	[tilespmem:$0x14280] =	vst v63  }
0x3e: {  	s18 =	simm.s32 $0x80;
	v0 =	vld.msk [tilespmem:s17+$0x0 ss:$0x1], $0xffff;
	s17 =	smov.u32 s14  }
.LBB2_3:
0x3f: {  	p1 =	sne.s32 s18, $0x4C0;
	_ =	sdelay $0x4  }
0x40: {  	v1 =	vand.u32 $0x3, v0;
	v2 =	vshll.u32 v0, $0x5  }
0x41: {  	vm2 =	veq.s32 v0, $0x80000000;
	v0 =	vmul.u32 $0x271000, v1;
	v1 =	vand.u32 $0x3FFF80, v2  }
0x42: {  	v1 =	vsel vm2, $0xFFFFFF80, v1  }
0x43: {  	v0 =	vsel vm2, $0xFFD8F000, v0;
	v2 =	vand.u32 $0xFFFFFC00, v1  }
0x44: {  	v1 =	vand.u32 $0x380, v1;
	v0 =	vadd.s32 v0, v2  }
0x45: {  	v0 =	vor.u32 v1, v0  }
0x46: {  	v0 =	vshrl.u32 v0, $0x3;
	_ =	sdelay $0x3  }
.Ltmp3:
0x47: {  	s19 =	sshra.s32 s18, $0x2;
	s17 =	sadd.s32 $0x800, s17;
	(pc) =	sbr.rel @p1 .LBB2_3-.Ltmp3, $4  }
0x48: {  	[tilespmem:s17], [sflag:$0x1] =	stream.indirect_vreg.gather [hbm:s9], $0x80, v0, vm0, $0x38;
	[tilespmem:$0x14280] =	vst v63  }
0x49: {  	s19 =	sadd.s32 s19, s16;
	s20 =	sadd.s32 $0x400, s17  }
0x4a: {  	[tilespmem:s20], [sflag:$0x1] =	stream.indirect_vreg.gather [hbm:s9], $0x80, v0, vm1, $0x38;
	[tilespmem:$0x14280] =	vst v63  }
0x4b: {  	s18 =	sadd.s32 $0x40, s18;
	v0 =	vld.msk [tilespmem:s19+$0x0 ss:$0x1], $0xffff  }
0x4c: {  	_ =	sdelay $0x3  }
0x4d: {  	v1 =	vand.u32 $0x3, v0;
	v2 =	vshll.u32 v0, $0x5  }
0x4e: {  	vm2 =	veq.s32 v0, $0x80000000;
	v61 =	vmul.u32 $0x271000, v1;
	v62 =	vand.u32 $0x3FFF80, v2  }
0x4f: {  	v1 =	vsel vm2, $0xFFFFFF80, v62  }
0x50: {  	v0 =	vsel vm2, $0xFFD8F000, v61;
	v63 =	vand.u32 $0xFFFFFC00, v1  }
0x51: {  	v1 =	vand.u32 $0x380, v1;
	v0 =	vadd.s32 v0, v63  }
0x52: {  	v0 =	vor.u32 v1, v0  }
0x53: {  	v0 =	vshrl.u32 v0, $0x3;
	_ =	sdelay $0x3  }
0x54: {  	s16 =	sadd.s32 $0x800, s17  }
0x55: {  	[tilespmem:s16], [sflag:$0x1] =	stream.indirect_vreg.gather [hbm:s9], $0x80, v0, vm0, $0x38;
	[tilespmem:$0x14280] =	vst v63  }
0x56: {  	s16 =	sadd.s32 $0x400, s16  }
0x57: {  	[tilespmem:s16], [sflag:$0x1] =	stream.indirect_vreg.gather [hbm:s9], $0x80, v0, vm1, $0x38;
	[tilespmem:$0x14280] =	vst v63  }
0x58: {  	s13 =	sshll.u32 s13, $0x4;
	_ =	swait.ge [sflag:s6], $0xA000  }
0x59: {  	s13 =	sadd.s32 s13, s4;
	[sflag:s6] =	ssyncset.done $0x0  }
0x5a: {  	s17 =	sadd.s32 $0x0, s13;
	s16 =	simm.s32 $0x80;
	[sflag:s6] =	ssyncadd.s32 $0xFFFF6000  }
.LBB2_5:
0x5b: {  	[hbm:s17] =	stream.linear.scatter [tilespmem:s14], [sflag:$0x3], $0x400, $0x38;
	[tilespmem:$0x14280] =	vst v63  }
0x5c: {  	s17 =	smov.u32 s16;
	s14 =	smov.u32 s15;
	p1 =	sne.s32 s16, $0x1380  }
.Ltmp4:
0x5d: {  	s16 =	sadd.s32 $0x80, s16;
	(pc) =	sbr.rel @p1 .LBB2_5-.Ltmp4, $2  }
0x5e: {  	_ =	sdelay $0x2  }
0x5f: {  	s15 =	sadd.s32 $0x400, s15;
	s17 =	sadd.s32 s17, s13  }
.Ltmp5:
0x60: {  	_ = 	snop;
	(pc) =	sbr.rel .LBB2_6-.Ltmp5, $1  }
0x61: {  	_ =	sdelay $0x3  }
.LBB2_8:
0x62: {  	_ =	sfence.sel $0x180000  }
0x63: {  	s1 =	simm.s32 $0x2;
	[bflag:$0x0] =	sbarrier.arrive $0xFFFF  }
0x64: {  	s30 =	simm.s32 $0x3;
	[sflag:s1] =	ssyncpa.u1 $0x1  }
0x65: {  	s31 =	simm.s32 $0x1;
	[sflag:s30] =	ssyncpa.u1 $0x1  }
0x66: {  	[sflag:s31] =	ssyncpa.u1 $0x1  }
0x67: {  	p0 =	sne.s32 s0, $0x0;
	_ =	strace $0x90000047  }
0x68: {  	s0 =	sadd.s32 @!p0 $0x100000, s2;
	[bflag:$0x2] =	sbarrier.arrive $0xFFFF  }
0x69: {  	[sflag:s0] =	ssyncadd.tile.s32 @!p0 $0x1;
	_ =	shalt  }
.Lfunc_end2:
_tile_overlayer_lowered:
.L_overlay_start_2:
0x6a: {  	(tag) =	ssettag $0x2  }
0x6b: {  	s0 =	rddreg [dreg:$0x0];
	s2 =	stileid.u32  }
0x6c: {  	s1 =	rddreg [dreg:$0x1];
	p0 =	sne.s32 s2, $0x0  }
0x6d: {  	s3 =	rddreg [dreg:$0x2];
	[bflag:$0x3] =	sbarrier.arrive $0xFFFF;
	s2 =	simm.s32 @!p0 $0x1C01  }
0x6e: {  	[timem:s3], [sflag:s2] =	dma.local @!p0 [hbm:s0], s1  }
0x6f: {  	s0 =	simm.s32 @!p0 $0x1  }
0x70: {  	_ =	swait.ge @!p0 [sflag:s0], s1  }
0x71: {  	s1 =	ssub.s32 @!p0 $0x0, s1;
	[sflag:s0] =	ssyncset.done @!p0 $0x0  }
0x72: {  	[sflag:s0] =	ssyncadd.s32 @!p0 s1  }
0x73: {  	[bflag:$0x3] =	sbarrier.arrive $0xFFFF  }
0x74: {  	_ =	shalt  }

</sc_bundles>
